<compile_context>
chip_gen: v7x
topology: tpu7x:2x2x1
jax: 0.10.2.dev20260603
libtpu: 0.0.44.dev20260713+nightly
codegen_flags: <defaults>
</compile_context>

<pallas_src>
import functools

import jax
import jax.numpy as jnp
from jax import lax
from jax.experimental import pallas as pl
from jax.experimental.pallas import tpu as pltpu
from jax.experimental.pallas import tpu_sc as plsc

B_, T_, D_ = 16, 576, 64
N_TOK = B_ * T_
V_ = 1024
BLK = 3072
NB = N_TOK // BLK


def _argmin_body(x_ref, cb_ref, idx_ref):
    cb = cb_ref[...]
    cbsq = jnp.sum(cb * cb, axis=1, keepdims=True)
    s2 = lax.dot_general(
        cb + cb, x_ref[...], (((1,), (1,)), ((), ())),
        preferred_element_type=jnp.float32)
    nd = s2 - cbsq
    idx_ref[...] = jnp.argmax(nd, axis=0).astype(jnp.int32)


def _nearest_idx(flat, codebook):
    return pl.pallas_call(
        _argmin_body,
        grid=(NB,),
        in_specs=[
            pl.BlockSpec((BLK, D_), lambda i: (i, 0)),
            pl.BlockSpec((V_, D_), lambda i: (0, 0)),
        ],
        out_specs=pl.BlockSpec((BLK,), lambda i: (i,)),
        out_shape=jax.ShapeDtypeStruct((N_TOK,), jnp.int32),
    )(flat, codebook)


_NC, _NS = 1, 16
_NW = _NC * _NS
_BPW = N_TOK // _NW
_CHK = _BPW // 2


@functools.cache
def _sc_gather_fn():
    mesh = plsc.VectorSubcoreMesh(core_axis_name="c", subcore_axis_name="s", num_cores=1)

    @functools.partial(
        pl.kernel,
        mesh=mesh,
        compiler_params=pltpu.CompilerParams(use_tc_tiling_on_sc=False),
        out_type=jax.ShapeDtypeStruct((N_TOK, D_), jnp.float32),
        scratch_types=[
            pltpu.VMEM((_BPW,), jnp.int32),
            pltpu.VMEM((_BPW, D_), jnp.float32),
            pltpu.SemaphoreType.DMA,
            pltpu.SemaphoreType.DMA,
            pltpu.SemaphoreType.DMA,
        ],
    )
    def _sc_gather(table_hbm, idx_hbm, out_hbm, idx_v, rows_v, isem, gsem,
                   wsem):
        wid = lax.axis_index("s") * _NC + lax.axis_index("c")
        base = wid * _BPW
        i0 = pltpu.async_copy(
            idx_hbm.at[pl.ds(base, _CHK)], idx_v.at[pl.ds(0, _CHK)], isem)
        i1 = pltpu.async_copy(
            idx_hbm.at[pl.ds(base + _CHK, _CHK)],
            idx_v.at[pl.ds(_CHK, _CHK)], isem)
        i0.wait()
        g0 = pltpu.async_copy(
            table_hbm.at[idx_v.at[pl.ds(0, _CHK)]],
            rows_v.at[pl.ds(0, _CHK)], gsem)
        i1.wait()
        g1 = pltpu.async_copy(
            table_hbm.at[idx_v.at[pl.ds(_CHK, _CHK)]],
            rows_v.at[pl.ds(_CHK, _CHK)], gsem)
        g0.wait()
        w0 = pltpu.async_copy(
            rows_v.at[pl.ds(0, _CHK)],
            out_hbm.at[pl.ds(base, _CHK)], wsem)
        g1.wait()
        w1 = pltpu.async_copy(
            rows_v.at[pl.ds(_CHK, _CHK)],
            out_hbm.at[pl.ds(base + _CHK, _CHK)], wsem)
        w0.wait()
        w1.wait()

    return _sc_gather


def kernel(x, codebook):
    flat = x.reshape(N_TOK, D_)
    idx = _nearest_idx(flat, codebook)
    q = _sc_gather_fn()(codebook, idx)
    return q.reshape(B_, T_, D_)

# --- scband reference (transcript-rebuilt; emitter-appended) ---
"""Pipeline reference for scband-quantizer-15908558864635 (READ-ONLY COPY).

The authoritative reference and input builder live on the scoring server;
editing this copy changes nothing except your own understanding.
"""

import jax, jax.numpy as jnp
import numpy as np


def setup_inputs(seed: int = 0) -> dict:
    key = jax.random.key(seed)
    k1, k2 = jax.random.split(key)
    x = jax.random.normal(k1, (16, 576, 64), dtype=jnp.float32)
    codebook = jax.random.normal(k2, (1024, 64), dtype=jnp.float32)
    return {"x": x, "codebook": codebook}


def reference(x, codebook):
    # Vector-quantizer: nearest codebook entry per token + straight-through estimator.
    B, T, D = x.shape
    flat = x.reshape(-1, D)
    # squared L2 distances to every codebook vector
    d = (jnp.sum(flat * flat, axis=1, keepdims=True)
         - 2.0 * (flat @ codebook.T)
         + jnp.sum(codebook * codebook, axis=1)[None, :])
    idx = jnp.argmin(d, axis=1)
    q = jnp.take(codebook, idx, axis=0).reshape(B, T, D)
    # straight-through: forward outputs quantized codes
    out = x + jax.lax.stop_gradient(q - x)
    return out

if __name__ == "__main__":
    import jax
    _d = setup_inputs()
    print(jax.jit(kernel)(*tuple(_d.values())))

</pallas_src>

<mosaic_0001>
#map = affine_map<(d0, d1) -> (0, 0)>
#map1 = affine_map<(d0, d1) -> (0)>
module attributes {stable_mosaic.version = 14 : i64} {
  func.func @_sc_gather(%arg0: i32, %arg1: i32, %arg2: memref<1024x64xf32, #tpu.memory_space<hbm>>, %arg3: memref<9216xi32, #tpu.memory_space<hbm>>, %arg4: memref<9216x64xf32, #tpu.memory_space<hbm>>, %arg5: memref<576xi32, #tpu.memory_space<vmem>>, %arg6: memref<576x64xf32, #tpu.memory_space<vmem>>, %arg7: memref<!tpu.dma_semaphore, #tpu.memory_space<semaphore_mem>>, %arg8: memref<!tpu.dma_semaphore, #tpu.memory_space<semaphore_mem>>, %arg9: memref<!tpu.dma_semaphore, #tpu.memory_space<semaphore_mem>>) attributes {dimension_semantics = [#tpu.dimension_semantics<core_parallel>, #tpu.dimension_semantics<subcore_parallel>], iteration_bounds = array<i64: 1, 16>, scalar_prefetch = 0 : i64, scratch_operands = 5 : i64, tpu.core_type = #tpu.core_type<sc_vector_subcore>, window_params = [{transform_indices = #map}, {transform_indices = #map1}, {transform_indices = #map}]} {
    %mul3A = arith.constant 1 : i32
    %mul3A_0 = arith.muli %arg1, %mul3A : i32
    %add3A = arith.addi %mul3A_0, %arg0 : i32
    %mul3A_1 = arith.constant 576 : i32
    %mul3A_2 = arith.muli %add3A, %mul3A_1 : i32
    %dma_start3A = arith.constant 0 : i32
    %dma_start3A_3 = tpu.memref_slice %arg5[%dma_start3A] : memref<576xi32, #tpu.memory_space<vmem>> -> memref<288xi32, #tpu.memory_space<vmem>>
    %dma_start3A_4 = tpu.memref_slice %arg3[%mul3A_2] : memref<9216xi32, #tpu.memory_space<hbm>> -> memref<288xi32, #tpu.memory_space<hbm>>
    %dma_start3A_5 = arith.constant 0 : i32
    %dma_start3A_6 = tpu.memref_slice %arg5[%dma_start3A_5] : memref<576xi32, #tpu.memory_space<vmem>> -> memref<288xi32, #tpu.memory_space<vmem>>
    %dma_start3A_7 = tpu.memref_slice %arg3[%mul3A_2] : memref<9216xi32, #tpu.memory_space<hbm>> -> memref<288xi32, #tpu.memory_space<hbm>>
    tpu.enqueue_dma source(%dma_start3A_7 : memref<288xi32, #tpu.memory_space<hbm>>) target(%dma_start3A_6 : memref<288xi32, #tpu.memory_space<vmem>>) target_semaphore(%arg7 : memref<!tpu.dma_semaphore, #tpu.memory_space<semaphore_mem>>)
    %add3A_8 = arith.constant 288 : i32
    %add3A_9 = arith.addi %mul3A_2, %add3A_8 : i32
    %dma_start3A_10 = arith.constant 288 : i32
    %dma_start3A_11 = tpu.memref_slice %arg5[%dma_start3A_10] : memref<576xi32, #tpu.memory_space<vmem>> -> memref<288xi32, #tpu.memory_space<vmem>>
    %dma_start3A_12 = tpu.memref_slice %arg3[%add3A_9] : memref<9216xi32, #tpu.memory_space<hbm>> -> memref<288xi32, #tpu.memory_space<hbm>>
    %dma_start3A_13 = arith.constant 288 : i32
    %dma_start3A_14 = tpu.memref_slice %arg5[%dma_start3A_13] : memref<576xi32, #tpu.memory_space<vmem>> -> memref<288xi32, #tpu.memory_space<vmem>>
    %dma_start3A_15 = tpu.memref_slice %arg3[%add3A_9] : memref<9216xi32, #tpu.memory_space<hbm>> -> memref<288xi32, #tpu.memory_space<hbm>>
    tpu.enqueue_dma source(%dma_start3A_15 : memref<288xi32, #tpu.memory_space<hbm>>) target(%dma_start3A_14 : memref<288xi32, #tpu.memory_space<vmem>>) target_semaphore(%arg7 : memref<!tpu.dma_semaphore, #tpu.memory_space<semaphore_mem>>)
    %dma_wait3A = arith.constant 0 : i32
    %dma_wait3A_16 = tpu.memref_slice %arg5[%dma_wait3A] : memref<576xi32, #tpu.memory_space<vmem>> -> memref<288xi32, #tpu.memory_space<vmem>>
    %dma_wait3A_17 = tpu.memref_slice %arg3[%mul3A_2] : memref<9216xi32, #tpu.memory_space<hbm>> -> memref<288xi32, #tpu.memory_space<hbm>>
    %dma_wait3A_18 = arith.constant 0 : i32
    %dma_wait3A_19 = tpu.memref_slice %arg5[%dma_wait3A_18] : memref<576xi32, #tpu.memory_space<vmem>> -> memref<288xi32, #tpu.memory_space<vmem>>
    %dma_wait3A_20 = tpu.memref_slice %arg3[%mul3A_2] : memref<9216xi32, #tpu.memory_space<hbm>> -> memref<288xi32, #tpu.memory_space<hbm>>
    tpu.wait_dma2 semaphore(%arg7 : memref<!tpu.dma_semaphore, #tpu.memory_space<semaphore_mem>>) src(%dma_wait3A_20 : memref<288xi32, #tpu.memory_space<hbm>>) dst(%dma_wait3A_19 : memref<288xi32, #tpu.memory_space<vmem>>)
    %dma_start3A_21 = arith.constant 0 : i32
    %dma_start3A_22 = arith.constant 0 : i32
    %dma_start3A_23 = tpu.memref_slice %arg6[%dma_start3A_21, %dma_start3A_22] : memref<576x64xf32, #tpu.memory_space<vmem>> -> memref<288x64xf32, #tpu.memory_space<vmem>>
    %dma_start3A_24 = arith.constant 0 : i32
    %dma_start3A_25 = tpu.memref_slice %arg5[%dma_start3A_24] : memref<576xi32, #tpu.memory_space<vmem>> -> memref<288xi32, #tpu.memory_space<vmem>>
    %dma_start3A_26 = arith.constant 0 : i32
    %dma_start3A_27 = arith.constant 0 : i32
    %dma_start3A_28 = tpu.memref_slice %arg2[%dma_start3A_26, %dma_start3A_27] : memref<1024x64xf32, #tpu.memory_space<hbm>> -> memref<1024x64xf32, #tpu.memory_space<hbm>>
    tpu.enqueue_indirect_dma source(%dma_start3A_28 : memref<1024x64xf32, #tpu.memory_space<hbm>>) target(%dma_start3A_23 : memref<288x64xf32, #tpu.memory_space<vmem>>) offsets(%dma_start3A_25 : memref<288xi32, #tpu.memory_space<vmem>>) semaphore(%arg8 : memref<!tpu.dma_semaphore, #tpu.memory_space<semaphore_mem>>)
    %dma_wait3A_29 = arith.constant 288 : i32
    %dma_wait3A_30 = tpu.memref_slice %arg5[%dma_wait3A_29] : memref<576xi32, #tpu.memory_space<vmem>> -> memref<288xi32, #tpu.memory_space<vmem>>
    %dma_wait3A_31 = tpu.memref_slice %arg3[%add3A_9] : memref<9216xi32, #tpu.memory_space<hbm>> -> memref<288xi32, #tpu.memory_space<hbm>>
    %dma_wait3A_32 = arith.constant 288 : i32
    %dma_wait3A_33 = tpu.memref_slice %arg5[%dma_wait3A_32] : memref<576xi32, #tpu.memory_space<vmem>> -> memref<288xi32, #tpu.memory_space<vmem>>
    %dma_wait3A_34 = tpu.memref_slice %arg3[%add3A_9] : memref<9216xi32, #tpu.memory_space<hbm>> -> memref<288xi32, #tpu.memory_space<hbm>>
    tpu.wait_dma2 semaphore(%arg7 : memref<!tpu.dma_semaphore, #tpu.memory_space<semaphore_mem>>) src(%dma_wait3A_34 : memref<288xi32, #tpu.memory_space<hbm>>) dst(%dma_wait3A_33 : memref<288xi32, #tpu.memory_space<vmem>>)
    %dma_start3A_35 = arith.constant 288 : i32
    %dma_start3A_36 = arith.constant 0 : i32
    %dma_start3A_37 = tpu.memref_slice %arg6[%dma_start3A_35, %dma_start3A_36] : memref<576x64xf32, #tpu.memory_space<vmem>> -> memref<288x64xf32, #tpu.memory_space<vmem>>
    %dma_start3A_38 = arith.constant 288 : i32
    %dma_start3A_39 = tpu.memref_slice %arg5[%dma_start3A_38] : memref<576xi32, #tpu.memory_space<vmem>> -> memref<288xi32, #tpu.memory_space<vmem>>
    %dma_start3A_40 = arith.constant 0 : i32
    %dma_start3A_41 = arith.constant 0 : i32
    %dma_start3A_42 = tpu.memref_slice %arg2[%dma_start3A_40, %dma_start3A_41] : memref<1024x64xf32, #tpu.memory_space<hbm>> -> memref<1024x64xf32, #tpu.memory_space<hbm>>
    tpu.enqueue_indirect_dma source(%dma_start3A_42 : memref<1024x64xf32, #tpu.memory_space<hbm>>) target(%dma_start3A_37 : memref<288x64xf32, #tpu.memory_space<vmem>>) offsets(%dma_start3A_39 : memref<288xi32, #tpu.memory_space<vmem>>) semaphore(%arg8 : memref<!tpu.dma_semaphore, #tpu.memory_space<semaphore_mem>>)
    %dma_wait3A_43 = arith.constant 0 : i32
    %dma_wait3A_44 = arith.constant 0 : i32
    %dma_wait3A_45 = tpu.memref_slice %arg6[%dma_wait3A_43, %dma_wait3A_44] : memref<576x64xf32, #tpu.memory_space<vmem>> -> memref<288x64xf32, #tpu.memory_space<vmem>>
    %dma_wait3A_46 = arith.constant 0 : i32
    %dma_wait3A_47 = tpu.memref_slice %arg5[%dma_wait3A_46] : memref<576xi32, #tpu.memory_space<vmem>> -> memref<288xi32, #tpu.memory_space<vmem>>
    %dma_wait3A_48 = arith.constant 0 : i32
    %dma_wait3A_49 = arith.constant 0 : i32
    %dma_wait3A_50 = tpu.memref_slice %arg2[%dma_wait3A_48, %dma_wait3A_49] : memref<1024x64xf32, #tpu.memory_space<hbm>> -> memref<1024x64xf32, #tpu.memory_space<hbm>>
    tpu.wait_indirect_dma semaphore(%arg8 : memref<!tpu.dma_semaphore, #tpu.memory_space<semaphore_mem>>) src(%dma_wait3A_50 : memref<1024x64xf32, #tpu.memory_space<hbm>>) dst(%dma_wait3A_45 : memref<288x64xf32, #tpu.memory_space<vmem>>)
    %dma_start3A_51 = arith.constant 0 : i32
    %dma_start3A_52 = arith.constant 0 : i32
    %dma_start3A_53 = tpu.memref_slice %arg6[%dma_start3A_51, %dma_start3A_52] : memref<576x64xf32, #tpu.memory_space<vmem>> -> memref<288x64xf32, #tpu.memory_space<vmem>>
    %dma_start3A_54 = arith.constant 0 : i32
    %dma_start3A_55 = tpu.memref_slice %arg4[%mul3A_2, %dma_start3A_54] : memref<9216x64xf32, #tpu.memory_space<hbm>> -> memref<288x64xf32, #tpu.memory_space<hbm>>
    %dma_start3A_56 = arith.constant 0 : i32
    %dma_start3A_57 = tpu.memref_slice %arg4[%mul3A_2, %dma_start3A_56] : memref<9216x64xf32, #tpu.memory_space<hbm>> -> memref<288x64xf32, #tpu.memory_space<hbm>>
    %dma_start3A_58 = arith.constant 0 : i32
    %dma_start3A_59 = arith.constant 0 : i32
    %dma_start3A_60 = tpu.memref_slice %arg6[%dma_start3A_58, %dma_start3A_59] : memref<576x64xf32, #tpu.memory_space<vmem>> -> memref<288x64xf32, #tpu.memory_space<vmem>>
    tpu.enqueue_dma source(%dma_start3A_60 : memref<288x64xf32, #tpu.memory_space<vmem>>) target(%dma_start3A_57 : memref<288x64xf32, #tpu.memory_space<hbm>>) target_semaphore(%arg9 : memref<!tpu.dma_semaphore, #tpu.memory_space<semaphore_mem>>)
    %dma_wait3A_61 = arith.constant 288 : i32
    %dma_wait3A_62 = arith.constant 0 : i32
    %dma_wait3A_63 = tpu.memref_slice %arg6[%dma_wait3A_61, %dma_wait3A_62] : memref<576x64xf32, #tpu.memory_space<vmem>> -> memref<288x64xf32, #tpu.memory_space<vmem>>
    %dma_wait3A_64 = arith.constant 288 : i32
    %dma_wait3A_65 = tpu.memref_slice %arg5[%dma_wait3A_64] : memref<576xi32, #tpu.memory_space<vmem>> -> memref<288xi32, #tpu.memory_space<vmem>>
    %dma_wait3A_66 = arith.constant 0 : i32
    %dma_wait3A_67 = arith.constant 0 : i32
    %dma_wait3A_68 = tpu.memref_slice %arg2[%dma_wait3A_66, %dma_wait3A_67] : memref<1024x64xf32, #tpu.memory_space<hbm>> -> memref<1024x64xf32, #tpu.memory_space<hbm>>
    tpu.wait_indirect_dma semaphore(%arg8 : memref<!tpu.dma_semaphore, #tpu.memory_space<semaphore_mem>>) src(%dma_wait3A_68 : memref<1024x64xf32, #tpu.memory_space<hbm>>) dst(%dma_wait3A_63 : memref<288x64xf32, #tpu.memory_space<vmem>>)
    %add3A_69 = arith.constant 288 : i32
    %add3A_70 = arith.addi %mul3A_2, %add3A_69 : i32
    %dma_start3A_71 = arith.constant 288 : i32
    %dma_start3A_72 = arith.constant 0 : i32
    %dma_start3A_73 = tpu.memref_slice %arg6[%dma_start3A_71, %dma_start3A_72] : memref<576x64xf32, #tpu.memory_space<vmem>> -> memref<288x64xf32, #tpu.memory_space<vmem>>
    %dma_start3A_74 = arith.constant 0 : i32
    %dma_start3A_75 = tpu.memref_slice %arg4[%add3A_70, %dma_start3A_74] : memref<9216x64xf32, #tpu.memory_space<hbm>> -> memref<288x64xf32, #tpu.memory_space<hbm>>
    %dma_start3A_76 = arith.constant 0 : i32
    %dma_start3A_77 = tpu.memref_slice %arg4[%add3A_70, %dma_start3A_76] : memref<9216x64xf32, #tpu.memory_space<hbm>> -> memref<288x64xf32, #tpu.memory_space<hbm>>
    %dma_start3A_78 = arith.constant 288 : i32
    %dma_start3A_79 = arith.constant 0 : i32
    %dma_start3A_80 = tpu.memref_slice %arg6[%dma_start3A_78, %dma_start3A_79] : memref<576x64xf32, #tpu.memory_space<vmem>> -> memref<288x64xf32, #tpu.memory_space<vmem>>
    tpu.enqueue_dma source(%dma_start3A_80 : memref<288x64xf32, #tpu.memory_space<vmem>>) target(%dma_start3A_77 : memref<288x64xf32, #tpu.memory_space<hbm>>) target_semaphore(%arg9 : memref<!tpu.dma_semaphore, #tpu.memory_space<semaphore_mem>>)
    %dma_wait3A_81 = arith.constant 0 : i32
    %dma_wait3A_82 = arith.constant 0 : i32
    %dma_wait3A_83 = tpu.memref_slice %arg6[%dma_wait3A_81, %dma_wait3A_82] : memref<576x64xf32, #tpu.memory_space<vmem>> -> memref<288x64xf32, #tpu.memory_space<vmem>>
    %dma_wait3A_84 = arith.constant 0 : i32
    %dma_wait3A_85 = tpu.memref_slice %arg4[%mul3A_2, %dma_wait3A_84] : memref<9216x64xf32, #tpu.memory_space<hbm>> -> memref<288x64xf32, #tpu.memory_space<hbm>>
    %dma_wait3A_86 = arith.constant 0 : i32
    %dma_wait3A_87 = tpu.memref_slice %arg4[%mul3A_2, %dma_wait3A_86] : memref<9216x64xf32, #tpu.memory_space<hbm>> -> memref<288x64xf32, #tpu.memory_space<hbm>>
    %dma_wait3A_88 = arith.constant 0 : i32
    %dma_wait3A_89 = arith.constant 0 : i32
    %dma_wait3A_90 = tpu.memref_slice %arg6[%dma_wait3A_88, %dma_wait3A_89] : memref<576x64xf32, #tpu.memory_space<vmem>> -> memref<288x64xf32, #tpu.memory_space<vmem>>
    tpu.wait_dma2 semaphore(%arg9 : memref<!tpu.dma_semaphore, #tpu.memory_space<semaphore_mem>>) src(%dma_wait3A_90 : memref<288x64xf32, #tpu.memory_space<vmem>>) dst(%dma_wait3A_87 : memref<288x64xf32, #tpu.memory_space<hbm>>)
    %dma_wait3A_91 = arith.constant 288 : i32
    %dma_wait3A_92 = arith.constant 0 : i32
    %dma_wait3A_93 = tpu.memref_slice %arg6[%dma_wait3A_91, %dma_wait3A_92] : memref<576x64xf32, #tpu.memory_space<vmem>> -> memref<288x64xf32, #tpu.memory_space<vmem>>
    %dma_wait3A_94 = arith.constant 0 : i32
    %dma_wait3A_95 = tpu.memref_slice %arg4[%add3A_70, %dma_wait3A_94] : memref<9216x64xf32, #tpu.memory_space<hbm>> -> memref<288x64xf32, #tpu.memory_space<hbm>>
    %dma_wait3A_96 = arith.constant 0 : i32
    %dma_wait3A_97 = tpu.memref_slice %arg4[%add3A_70, %dma_wait3A_96] : memref<9216x64xf32, #tpu.memory_space<hbm>> -> memref<288x64xf32, #tpu.memory_space<hbm>>
    %dma_wait3A_98 = arith.constant 288 : i32
    %dma_wait3A_99 = arith.constant 0 : i32
    %dma_wait3A_100 = tpu.memref_slice %arg6[%dma_wait3A_98, %dma_wait3A_99] : memref<576x64xf32, #tpu.memory_space<vmem>> -> memref<288x64xf32, #tpu.memory_space<vmem>>
    tpu.wait_dma2 semaphore(%arg9 : memref<!tpu.dma_semaphore, #tpu.memory_space<semaphore_mem>>) src(%dma_wait3A_100 : memref<288x64xf32, #tpu.memory_space<vmem>>) dst(%dma_wait3A_97 : memref<288x64xf32, #tpu.memory_space<hbm>>)
    return
  }
}

module attributes {stable_mosaic.version = 14 : i64} {
  func.func @_argmin_body(%arg0: i32, %arg1: memref<3072x64xf32, #tpu.memory_space<vmem>>, %arg2: memref<1024x64xf32, #tpu.memory_space<vmem>>, %arg3: memref<3072xi32, #tpu.memory_space<vmem>>) attributes {dimension_semantics = [#tpu.dimension_semantics<arbitrary>], iteration_bounds = array<i64: 3>, scalar_prefetch = 0 : i64, scratch_operands = 0 : i64, tpu.core_type = #tpu.core_type<tc>, window_params = [{transform_indices = @transform_0, window_bounds = array<i64: 3072, 64>}, {pipeline_mode = #tpu.pipeline_mode<synchronous>, transform_indices = @transform_1, window_bounds = array<i64: 1024, 64>}, {transform_indices = @transform_2, window_bounds = array<i64: 3072>}]} {
    %get3A = arith.constant 0 : index
    %get3A_0 = arith.constant 0 : index
    %get3A_1 = vector.load %arg2[%get3A, %get3A_0] : memref<1024x64xf32, #tpu.memory_space<vmem>>, vector<1024x64xf32>
    %mul3A = arith.mulf %get3A_1, %get3A_1 : vector<1024x64xf32>
    %reduce_sum3A = arith.constant dense<0.000000e+00> : vector<1024xf32>
    %reduce_sum3A_2 = vector.multi_reduction <add>, %mul3A, %reduce_sum3A [1] : vector<1024x64xf32> to vector<1024xf32>
    %broadcast_in_dim3A = vector.shape_cast %reduce_sum3A_2 : vector<1024xf32> to vector<1024x1xf32>
    %add3A = arith.addf %get3A_1, %get3A_1 : vector<1024x64xf32>
    %get3A_3 = arith.constant 0 : index
    %get3A_4 = arith.constant 0 : index
    %get3A_5 = vector.load %arg1[%get3A_3, %get3A_4] : memref<3072x64xf32, #tpu.memory_space<vmem>>, vector<3072x64xf32>
    %dot_general3A = arith.constant dense<0.000000e+00> : vector<1024x3072xf32>
    %dot_general3A_6 = tpu.matmul %add3A, %get3A_5, %dot_general3A {dimension_numbers = #tpu.dot_dimension_numbers<[1], [1], [0], [0], [0, 0, 1, 0], [], []>, transpose_lhs_hint = false} : vector<1024x64xf32>, vector<3072x64xf32>, vector<1024x3072xf32> -> vector<1024x3072xf32>
    %sub3A = vector.broadcast %broadcast_in_dim3A : vector<1024x1xf32> to vector<1024x3072xf32>
    %sub3A_7 = arith.subf %dot_general3A_6, %sub3A : vector<1024x3072xf32>
    %argmax3A = tpu.reduce_index %sub3A_7 {axis = 0 : i32, kind = #tpu.reduction_kind<arg_max>} : vector<1024x3072xf32> -> vector<3072xi32>
    %swap3A = arith.constant 0 : index
    %swap3A_8 = vector.load %arg3[%swap3A] : memref<3072xi32, #tpu.memory_space<vmem>>, vector<3072xi32>
    tpu.vector_store %arg3[%swap3A], %argmax3A {strides = array<i32>} : memref<3072xi32, #tpu.memory_space<vmem>>, vector<3072xi32>,
    return
  }
  func.func @transform_0(%arg0: i32) -> (i32, i32) {
    %c0_i32 = arith.constant 0 : i32
    %c0_i32_0 = arith.constant 0 : i32
    return %arg0, %c0_i32 : i32, i32
  }
  func.func @transform_1(%arg0: i32) -> (i32, i32) {
    %c0_i32 = arith.constant 0 : i32
    %c0_i32_0 = arith.constant 0 : i32
    %c0_i32_1 = arith.constant 0 : i32
    return %c0_i32, %c0_i32_0 : i32, i32
  }
  func.func @transform_2(%arg0: i32) -> i32 {
    %c0_i32 = arith.constant 0 : i32
    return %arg0 : i32
  }
}

</mosaic_0001>

<sc_bundles>
// kernel: kernel.4.cloned.1.call-start
scs
__scs_entry_jumppad:
0x0: {  	(pc) =	sbr.rel $0x88, $3  }
0x1: {  	(tag) =	ssettag $0x0;
	lr =	simm.s32 $0x1  }
0x2: {  	[smem:$0x3F9F] =	sst lr;
	_ =	strace $0xD0000000  }
0x3: {  	_ = 	snop  }
0x4: {  	_ = 	snop  }
0x5: {  	_ = 	snop  }
0x6: {  	_ = 	snop  }
0x7: {  	_ = 	snop  }
__scs_overlays_trampoline_lowered:
0x8: {  	[smem:$0x3FAE] =	sst s0  }
0x9: {  	[smem:$0x3FAF] =	sst s1  }
0xa: {  	[smem:$0x3FB0] =	sst s2  }
0xb: {  	[smem:$0x3FB1] =	sst s3  }
0xc: {  	[smem:$0x3FB2] =	sst s4  }
0xd: {  	[smem:$0x3FB3] =	sst s5  }
0xe: {  	[smem:$0x3FB4] =	sst s6  }
0xf: {  	[smem:$0x3FB5] =	sst s7  }
0x10: {  	[smem:$0x3FB6] =	sst s8  }
0x11: {  	[smem:$0x3FB7] =	sst s9;
	s0 =	simm.s32 @!p0 $0x0  }
0x12: {  	s1 =	sld [smem:$0x3F9D];
	s0 =	simm.s32 @p0 $0x1  }
0x13: {  	[smem:$0x3FB8] =	sst s0;
	s0 =	simm.s32 @!p1 $0x0  }
0x14: {  	s2 =	sld [smem:$0x3F9C];
	s0 =	simm.s32 @p1 $0x1  }
0x15: {  	[smem:$0x3FB9] =	sst s0;
	s0 =	simm.s32 @!p2 $0x0  }
0x16: {  	s3 =	sld [smem:$0x3FDB];
	s0 =	simm.s32 @p2 $0x1  }
0x17: {  	s4 =	simm.s32 $0x1BF5;
	[smem:$0x3FBB] =	sst s0  }
0x18: {  	s0 =	sld [smem:$0x3F9E];
	_ =	swait.ge [sflag:s4], $0x0  }
0x19: {  	s7 =	sld [smem:$0x3F9F]  }
0x1a: {  	s8 =	sadd.s32 $0xFFFFE003, lr  }
0x1b: {  	s9 =	sadd.s32 $0xFFFFFEF7, lr;
	s5 =	simm.s32 $0xFFFFFFFF;
	p2 =	slt.u32 s8, $0xFFFFF086  }
0x1c: {  	p1 =	slt.u32 s9, $0xF7A;
	s5 =	simm.s32 @!p2 $0x0  }
0x1d: {  	s5 =	simm.s32 @p1 $0x1;
	p0 =	seq.s32 s7, s2  }
0x1e: {  	s7 =	smul.u32 @!p0 $0xF7A, s2;
	p2 =	seq.s32 @!p0 s5, $0x0  }
0x1f: {  	s9 =	smul.u32 $0xF7A, s1;
	s8 =	simm.s32 @!p0 $0x1BF5;
	p2 =	por !p2, p0  }
0x20: {  	[sflag:s8] =	ssyncset.s32 @!p0 $0xFFFFF086;
	s6 =	sadd.s32 @!p0 s3, s7;
	s7 =	simm.s32 @!p0 $0x108  }
0x21: {  	s3 =	sadd.s32 s3, s9;
	s6 =	sadd.s32 @!p0 $0x88, s6;
	s7 =	simm.s32 @p2 $0x1082  }
0x22: {  	[simem:s7], [sflag:s8] =	dma.local @!p0 [hbm:s6], $0xF7A  }
0x23: {  	s9 =	sor.u32 $0xD0000000, s2;
	s6 =	simm.s32 $0x108;
	_ =	swait.ge @!p0 [sflag:s8], $0x0  }
0x24: {  	s3 =	sadd.s32 $0x88, s3;
	s6 =	simm.s32 @!p1 $0x1082;
	[sflag:s4] =	ssyncset.s32 $0xFFFFF086  }
0x25: {  	[simem:s6], [sflag:s4] =	dma.local [hbm:s3], $0xF7A  }
0x26: {  	[smem:$0x3F9F] =	sst s1;
	(tag) =	ssettag s2;
	_ =	strace s9  }
0x27: {  	s1 =	sld [smem:$0x3FAF]  }
0x28: {  	s2 =	sld [smem:$0x3FB0]  }
0x29: {  	s4 =	sld [smem:$0x3FB2]  }
0x2a: {  	p0 =	seq.s32 s5, $0x0;
	s5 =	sld [smem:$0x3FB3]  }
0x2b: {  	s6 =	sld [smem:$0x3FB4]  }
0x2c: {  	s7 =	sld [smem:$0x3FB5]  }
0x2d: {  	s3 =	simm.s32 $0x108;
	s8 =	sld [smem:$0x3FB6]  }
0x2e: {  	s3 =	simm.s32 @!p0 $0x1082;
	s9 =	sld [smem:$0x3FB7]  }
0x2f: {  	lr =	sadd.s32 s0, s3;
	s0 =	sld [smem:$0x3FAE]  }
0x30: {  	s3 =	sld [smem:$0x3FB1]  }
0x31: {  	[smem:$0x3FBA] =	sst s10  }
0x32: {  	s10 =	sld [smem:$0x3FB8];
	_ =	sdelay $0x3  }
0x33: {  	p0 =	seq.s32 s10, $0x1;
	s10 =	sld [smem:$0x3FBA];
	_ =	sdelay $0x3  }
0x34: {  	[smem:$0x3FBA] =	sst s10  }
0x35: {  	s10 =	sld [smem:$0x3FB9];
	_ =	sdelay $0x3  }
0x36: {  	p1 =	seq.s32 s10, $0x1;
	s10 =	sld [smem:$0x3FBA];
	_ =	sdelay $0x3  }
0x37: {  	[smem:$0x3FBA] =	sst s10  }
0x38: {  	s10 =	sld [smem:$0x3FBB]  }
0x39: {  	_ = 	snop;
	(pc) =	sbr.ind lr, $3  }
0x3a: {  	_ = 	snop  }
0x3b: {  	_ = 	snop  }
0x3c: {  	p2 =	seq.s32 s10, $0x1;
	s10 =	sld [smem:$0x3FBA]  }
0x3d: {  	_ =	shalt  }
0x3e: {  	_ =	shalt  }
0x3f: {  	_ =	shalt  }
0x40: {  	_ =	shalt  }
0x41: {  	_ =	shalt  }
0x42: {  	_ =	shalt  }
0x43: {  	_ =	shalt  }
0x44: {  	_ =	shalt  }
0x45: {  	_ =	shalt  }
0x46: {  	_ =	shalt  }
0x47: {  	_ =	shalt  }
0x48: {  	_ =	shalt  }
0x49: {  	_ =	shalt  }
0x4a: {  	_ =	shalt  }
0x4b: {  	_ =	shalt  }
0x4c: {  	_ =	shalt  }
0x4d: {  	_ =	shalt  }
0x4e: {  	_ =	shalt  }
0x4f: {  	_ =	shalt  }
0x50: {  	_ =	shalt  }
0x51: {  	_ =	shalt  }
0x52: {  	_ =	shalt  }
0x53: {  	_ =	shalt  }
0x54: {  	_ =	shalt  }
0x55: {  	_ =	shalt  }
0x56: {  	_ =	shalt  }
0x57: {  	_ =	shalt  }
0x58: {  	_ =	shalt  }
0x59: {  	_ =	shalt  }
0x5a: {  	_ =	shalt  }
0x5b: {  	_ =	shalt  }
0x5c: {  	_ =	shalt  }
0x5d: {  	_ =	shalt  }
0x5e: {  	_ =	shalt  }
0x5f: {  	_ =	shalt  }
0x60: {  	_ =	shalt  }
0x61: {  	_ =	shalt  }
0x62: {  	_ =	shalt  }
0x63: {  	_ =	shalt  }
0x64: {  	_ =	shalt  }
0x65: {  	_ =	shalt  }
0x66: {  	_ =	shalt  }
0x67: {  	_ =	shalt  }
0x68: {  	_ =	shalt  }
0x69: {  	_ =	shalt  }
0x6a: {  	_ =	shalt  }
0x6b: {  	_ =	shalt  }
0x6c: {  	_ =	shalt  }
0x6d: {  	_ =	shalt  }
0x6e: {  	_ =	shalt  }
0x6f: {  	_ =	shalt  }
0x70: {  	_ =	shalt  }
0x71: {  	_ =	shalt  }
0x72: {  	_ =	shalt  }
0x73: {  	_ =	shalt  }
0x74: {  	_ =	shalt  }
0x75: {  	_ =	shalt  }
0x76: {  	_ =	shalt  }
0x77: {  	_ =	shalt  }
0x78: {  	_ =	shalt  }
0x79: {  	_ =	shalt  }
0x7a: {  	_ =	shalt  }
0x7b: {  	_ =	shalt  }
0x7c: {  	_ =	shalt  }
0x7d: {  	_ =	shalt  }
0x7e: {  	_ =	shalt  }
0x7f: {  	_ =	shalt  }
0x80: {  	_ =	shalt  }
0x81: {  	_ =	shalt  }
0x82: {  	_ =	shalt  }
0x83: {  	_ =	shalt  }
0x84: {  	_ =	shalt  }
0x85: {  	_ =	shalt  }
0x86: {  	_ =	shalt  }
0x87: {  	_ =	shalt  }
.Lfunc_end0:
.L_simem_size_0:
called_computation_lowered:
.L_overlay_start_0:
0x88: {  	s0 =	sld [smem:$0x3FD9]  }
0x89: {  	s1 =	sld [smem:$0x3FFE];
	_ =	sdelay $0x3  }
0x8a: {  	s0 =	sadd.s32 s1, s0  }
0x8b: {  	[smem:$0x3FC6] =	sst s0  }
0x8c: {  	_ = 	snop  }
0x8d: {  	s0 =	sld [smem:$0x3FD0];
	(tm) =	ssettm $0x1  }
0x8e: {  	s16 =	sld [smem:$0x3FFB];
	_ =	sdelay $0x3  }
0x8f: {  	_ =	strace s16  }
0x90: {  	s1 =	sld [smem:$0x3FFC];
	_ =	sdelay $0x3  }
0x91: {  	_ =	strace s1  }
0x92: {  	s1 =	sld [smem:$0x3FFD];
	_ =	sdelay $0x3  }
0x93: {  	_ =	strace s1  }
0x94: {  	_ =	strace $0x8FFFFFFF  }
0x95: {  	s17 =	sld [smem:$0x3FDB];
	_ =	sdelay $0x1  }
0x96: {  	s2 =	simm.s32 $_scs_section_size  }
0x97: {  	s3 =	simm.s32 $_size__tile_overlayer_lowered;
	s4 =	simm.s32 $_tile_overlayer_lowered  }
0x98: {  	s20 =	simm.s32 $0x1BFF;
	s19 =	sshll.u32 s4, $0x1;
	s1 =	sadd.s32 s2, s17  }
0x99: {  	s5 =	simm.s32 $0x0;
	s18 =	sshll.u32 s3, $0x1;
	s3 =	sadd.s32 s19, s1  }
0x9a: {  	[timem:s5], [sflag:s20] =	dma.local [hbm:s3], s18  }
0x9b: {  	_ =	swait.ge [sflag:s20], s18  }
0x9c: {  	s2 =	ssub.s32 $0x0, s18;
	[sflag:s20] =	ssyncset.done $0x0  }
0x9d: {  	[sflag:s20] =	ssyncadd.s32 s2;
	_ =	sdelay $0x1  }
0x9e: {  	s21 =	simm.s32 $0x1B8B  }
0x9f: {  	_ =	swait.ge [sflag:s21], $0x1  }
0xa0: {  	[sflag:s21] =	ssyncset.done $0x0  }
0xa1: {  	s23 =	simm.s32 $0x1B8E;
	s22 =	sld [smem:$0x3FFE];
	[sflag:s21] =	ssyncadd.s32 $0xFFFFFFFF  }
0xa2: {  	s24 =	simm.s32 $execute0_lowered;
	[smem:$0x3FD2] =	sst s23  }
0xa3: {  	s3 =	sshll.u32 s24, $0x1;
	_ =	strace $0x80000046;
	[dreg:$0x1] =	wrdreg $0xFFFFFFFF  }
0xa4: {  	s25 =	simm.s32 $_size_execute0_lowered;
	s1 =	sadd.s32 s1, s3;
	[dreg:$0x0] =	wrdreg $0x0  }
0xa5: {  	s3 =	sshll.u32 s25, $0x1;
	[dreg:$0x2] =	wrdreg s1  }
0xa6: {  	[dreg:$0x3] =	wrdreg s3  }
0xa7: {  	[dreg:$0x4] =	wrdreg $0xC0  }
0xa8: {  	_ =	task [dreg:s5], $0x5FFFF  }
0xa9: {  	[dreg:$0x1] =	wrdreg $0xFFFFFFFF  }
0xaa: {  	[dreg:$0x0] =	wrdreg $0x60  }
0xab: {  	[dreg:$0x2] =	wrdreg s22  }
0xac: {  	[dreg:$0x3] =	wrdreg s0  }
0xad: {  	[dreg:$0x4] =	wrdreg $0x9  }
0xae: {  	_ =	task.clear_ibuf [dreg:s5], $0x5FFFF;
	_ =	strace $0x90000046  }
0xaf: {  	s26 =	simm.s32 $0x9;
	_ =	strace $0x80000048  }
0xb0: {  	_ =	swait.ge [sflag:s26], $0x1  }
0xb1: {  	[sflag:s26] =	ssyncadd.s32 $0xFFFFFFFF  }
0xb2: {  	_ =	strace $0x90000048  }
0xb3: {  	_ =	sfence  }
0xb4: {  	s28 =	sld [smem:$0x0];
	_ =	sdelay $0x1  }
0xb5: {  	s29 =	srdreg.scid  }
0xb6: {  	s30 =	sshll.u32 s29, $0xD;
	s31 =	sshrl.u32 s29, $0x2  }
0xb7: {  	s2 =	sand.u32 $0x4000, s30;
	s1 =	sand.u32 $0x1, s29;
	s0 =	sadd.s32 s31, s28  }
0xb8: {  	s1 =	sor.u32 s2, s1;
	s0 =	sshll.u32 s0, $0x11  }
0xb9: {  	s0 =	sor.u32 s0, s1  }
0xba: {  	s0 =	sadd.s32 $0x8F2B, s0  }
0xbb: {  	[sflag:s0] =	ssyncadd.remote.s32 $0x1  }
0xbc: {  	_ =	sfence.sel $0xFFFF  }
0xbd: {  	[dreg:$0x0] =	wrdreg $0xFFFFFFFF;
	(pc) =	sbr.abs _section_cstart, $3  }
0xbe: {  	[dreg:$0x1] =	wrdreg $0xFFFFFFFF  }
0xbf: {  	_ =	task.clear_ibuf [dreg:s5], $0x2FFFF;
	_ =	strace $0x9FFFFFFF  }
0xc0: {  	(tm) =	ssettm $0x7FFFFFFF  }
0xc1: {  	_ =	shalt  }
tec
execute0_lowered:
.L_overlay_start_1:
0x0: {  	(tag) =	ssettag $0x1  }
0x1: {  	s0 =	rddreg [dreg:$0x0]  }
0x2: {  	s1 =	rddreg [dreg:$0x1];
	s2 =	stileid.u32  }
0x3: {  	s3 =	rddreg [dreg:$0x2];
	s4 =	simm.s32 $0x0;
	s5 =	smul.u32 $0x240, s2  }
0x4: {  	[smem:$0x7FF] =	sst s4  }
0x5: {  	s6 =	sadd.s32 $0x2600, s0;
	s7 =	sshrl.u32 s5, $0x3;
	s5 =	sadd.s32 $0x120, s5  }
0x6: {  	_ =	strace $0x80000047;
	s7 =	sadd.s32 s6, s7;
	s8 =	sshrl.u32 s5, $0x3  }
0x7: {  	[tilespmem:s4], [sflag:$0x1] =	stream.linear.gather [hbm4b:s7+s4], $0x120, $0x38;
	[tilespmem:$0x9240] =	vst v63  }
0x8: {  	s24 =	simm.s32 $0x120;
	s25 =	simm.s32 $0x1;
	s6 =	sadd.s32 s6, s8  }
0x9: {  	[tilespmem:s24], [sflag:$0x1] =	stream.linear.gather [hbm4b:s6+s4], $0x120, $0x38;
	[tilespmem:$0x9240] =	vst v63  }
0xa: {  	_ =	swait.ge [sflag:s25], $0x120  }
0xb: {  	[sflag:s25] =	ssyncset.done $0x0  }
0xc: {  	s26 =	simm.s32 $0x240;
	s0 =	sadd.s32 $0x600, s0;
	[sflag:s25] =	ssyncadd.s32 $0xFFFFFEE0  }
0xd: {  	[tilespmem:s26], [sflag:$0x2] =	stream.indirect.gather [hbm4b:s0+s24], $0x40, s4, s24, $0xb8;
	[tilespmem:$0x9240] =	vst v63  }
0xe: {  	_ =	swait.ge [sflag:s25], $0x120  }
0xf: {  	[sflag:s25] =	ssyncset.done $0x0  }
0x10: {  	s28 =	simm.s32 $0x4A40;
	s29 =	simm.s32 $0x2;
	[sflag:s25] =	ssyncadd.s32 $0xFFFFFEE0  }
0x11: {  	[tilespmem:s28], [sflag:$0x2] =	stream.indirect.gather [hbm4b:s0+s24], $0x40, s24, s24, $0xb8;
	[tilespmem:$0x9240] =	vst v63  }
0x12: {  	s30 =	smul.u32 $0x1200, s2;
	_ =	swait.ge [sflag:s29], $0x4800  }
0x13: {  	[sflag:s29] =	ssyncset.done $0x0  }
0x14: {  	s7 =	sadd.s32 s1, s30;
	[sflag:s29] =	ssyncadd.s32 $0xFFFFB800  }
0x15: {  	[hbm4b:s7+s4] =	stream.linear.scatter [tilespmem:s26], [sflag:$0x3], $0x4800, $0x38;
	[tilespmem:$0x9240] =	vst v63  }
0x16: {  	_ =	swait.ge [sflag:s29], $0x4800  }
0x17: {  	s5 =	sshll.u32 s5, $0x3;
	[sflag:s29] =	ssyncset.done $0x0  }
0x18: {  	s31 =	simm.s32 $0x3;
	s1 =	sadd.s32 s1, s5;
	[sflag:s29] =	ssyncadd.s32 $0xFFFFB800  }
0x19: {  	[hbm4b:s1+s4] =	stream.linear.scatter [tilespmem:s28], [sflag:$0x3], $0x4800, $0x38;
	[tilespmem:$0x9240] =	vst v63  }
0x1a: {  	_ =	swait.ge [sflag:s31], $0x4800  }
0x1b: {  	[sflag:s31] =	ssyncset.done $0x0  }
0x1c: {  	[sflag:s31] =	ssyncadd.s32 $0xFFFFB800  }
0x1d: {  	_ =	swait.ge [sflag:s31], $0x4800  }
0x1e: {  	[sflag:s31] =	ssyncset.done $0x0  }
0x1f: {  	[sflag:s31] =	ssyncadd.s32 $0xFFFFB800  }
0x20: {  	_ =	sfence.sel $0x180000  }
0x21: {  	[bflag:$0x0] =	sbarrier.arrive $0xFFFF  }
0x22: {  	p0 =	sne.s32 s2, $0x0;
	_ =	strace $0x90000047  }
0x23: {  	s0 =	sadd.s32 @!p0 $0x100000, s3;
	[bflag:$0x2] =	sbarrier.arrive $0xFFFF  }
0x24: {  	[sflag:s0] =	ssyncadd.tile.s32 @!p0 $0x1;
	_ =	shalt  }
.Lfunc_end2:
_tile_overlayer_lowered:
.L_overlay_start_2:
0x25: {  	(tag) =	ssettag $0x2  }
0x26: {  	s0 =	rddreg [dreg:$0x0];
	s2 =	stileid.u32  }
0x27: {  	s1 =	rddreg [dreg:$0x1];
	p0 =	sne.s32 s2, $0x0  }
0x28: {  	s3 =	rddreg [dreg:$0x2];
	[bflag:$0x3] =	sbarrier.arrive $0xFFFF;
	s2 =	simm.s32 @!p0 $0x1C04  }
0x29: {  	[timem:s3], [sflag:s2] =	dma.local @!p0 [hbm:s0], s1  }
0x2a: {  	s0 =	simm.s32 @!p0 $0x4  }
0x2b: {  	_ =	swait.ge @!p0 [sflag:s0], s1  }
0x2c: {  	s1 =	ssub.s32 @!p0 $0x0, s1;
	[sflag:s0] =	ssyncset.done @!p0 $0x0  }
0x2d: {  	[sflag:s0] =	ssyncadd.s32 @!p0 s1  }
0x2e: {  	[bflag:$0x3] =	sbarrier.arrive $0xFFFF  }
0x2f: {  	_ =	shalt  }

</sc_bundles>
